<compile_context>
chip_gen: v7x
topology: tpu7x:2x2x1
jax: 0.10.2.dev20260603
libtpu: 0.0.44.dev20260713+nightly
codegen_flags: <defaults>
</compile_context>

<pallas_src>
import functools

import jax
import jax.numpy as jnp
from jax import lax
from jax.experimental import pallas as pl
from jax.experimental.pallas import tpu as pltpu
from jax.experimental.pallas import tpu_sc as plsc

N = 100000
C = 512
NUM_CORES = 2
NUM_SUBCORES = 16
NW = NUM_CORES * NUM_SUBCORES
L = 16

R = 112
G = R // L
LAST_ROW0 = N - R
NUM_CHUNKS = -(-N // R)
MAX_CH_W = -(-NUM_CHUNKS // NW)


def _sc_body(y_hbm, val_hbm, zeros_hbm, out_hbm,
             buf0, buf1, yav, val_v, sem0, sem1, ysem):
    wid = lax.axis_index("s") * NUM_CORES + lax.axis_index("c")
    nch = jnp.where(wid < NUM_CHUNKS % NW, MAX_CH_W, MAX_CH_W - 1)
    bufs = (buf0, buf1)
    sems = (sem0, sem1)

    def row0_of(c):
        return pl.multiple_of(jnp.minimum(c * R, LAST_ROW0), 8)

    pltpu.async_copy(zeros_hbm, buf0, sem0)
    pltpu.async_copy(zeros_hbm, buf1, sem1)

    def y_fire(i, _):
        r0 = row0_of(wid + i * NW)
        pltpu.async_copy(y_hbm.at[pl.ds(r0, R)],
                         yav.at[pl.ds(i * R, R)], ysem)
        return 0
    lax.fori_loop(0, nch, y_fire, 0)

    pltpu.sync_copy(val_hbm, val_v)
    val_vec = val_v[:]
    zero_vec = jnp.zeros((L,), jnp.float32)
    lane = lax.iota(jnp.int32, L)

    def y_drain(i, _):
        pltpu.make_async_copy(y_hbm.at[pl.ds(0, R)],
                              yav.at[pl.ds(0, R)], ysem).wait()
        return 0
    lax.fori_loop(0, nch, y_drain, 0)

    def scatter_groups(buf, ybase, x_vec):
        def g_body(g, _):
            cols = yav[pl.ds(ybase + g * L, L)]
            rows = lane + g * L
            plsc.store_scatter(buf, [rows, cols], x_vec)
            return 0
        lax.fori_loop(0, G, g_body, 0)

    def process(i, buf, sem):
        r0 = row0_of(wid + i * NW)
        pltpu.make_async_copy(buf, out_hbm.at[pl.ds(0, R)], sem).wait()

        @pl.when(i >= 2)
        def _restore():
            scatter_groups(buf, (i - 2) * R, zero_vec)

        scatter_groups(buf, i * R, val_vec)
        pltpu.async_copy(buf, out_hbm.at[pl.ds(r0, R)], sem)

    def pair_body(p, _):
        for b in range(2):
            i = 2 * p + b

            @pl.when(i < nch)
            def _():
                process(i, bufs[b], sems[b])
        return 0
    lax.fori_loop(0, (MAX_CH_W + 1) // 2, pair_body, 0)

    for b in range(2):
        pltpu.make_async_copy(bufs[b], out_hbm.at[pl.ds(0, R)],
                              sems[b]).wait()


_onehot_sc = functools.partial(
    pl.kernel,
    mesh=plsc.VectorSubcoreMesh(core_axis_name="c", subcore_axis_name="s"),
    out_type=jax.ShapeDtypeStruct((N, C), jnp.float32),
    compiler_params=pltpu.CompilerParams(needs_layout_passes=False),
    scratch_types=[
        pltpu.VMEM((R, C), jnp.float32),
        pltpu.VMEM((R, C), jnp.float32),
        pltpu.VMEM((MAX_CH_W * R,), jnp.int32),
        pltpu.VMEM((L,), jnp.float32),
        pltpu.SemaphoreType.DMA,
        pltpu.SemaphoreType.DMA,
        pltpu.SemaphoreType.DMA,
    ],
)(_sc_body)


def kernel(y, val):
    val16 = jnp.broadcast_to(val.astype(jnp.float32), (L,))
    zeros = jnp.zeros((R, C), jnp.float32)
    return _onehot_sc(y, val16, zeros)

# --- scband reference (transcript-rebuilt; emitter-appended) ---
"""Pipeline reference for scband-dummy-node-classifier-8469675508197 (READ-ONLY COPY).

The authoritative reference and input builder live on the scoring server;
editing this copy changes nothing except your own understanding.
"""

import jax, jax.numpy as jnp
import numpy as np

N = 100000
C = 512

def setup_inputs(seed: int = 0) -> dict:
    key = jax.random.key(seed)
    k1, k2 = jax.random.split(key)
    y = jax.random.randint(k1, (N,), 0, C, dtype=jnp.int32)
    val = jnp.ones((1,), dtype=jnp.float32)
    return {"y": y, "val": val}

def reference(y, val):
    # y: int[N] node labels; build perfect one-hot logits via scatter-overwrite
    n = y.shape[0]
    rows = jnp.arange(n)
    logits = jnp.zeros((n, C), dtype=jnp.float32)
    # scatter-set: logits[arange(n), y] = 1.0 (val holds the constant 1.0)
    logits = logits.at[rows, y].set(jnp.broadcast_to(val[0], (n,)))
    return logits

if __name__ == "__main__":
    import jax
    _d = setup_inputs()
    print(jax.jit(kernel)(*tuple(_d.values())))

</pallas_src>

<mosaic_0001>
#map = affine_map<(d0, d1) -> (0)>
#map1 = affine_map<(d0, d1) -> (0, 0)>
module attributes {stable_mosaic.version = 14 : i64} {
  func.func @_sc_body(%arg0: i32, %arg1: i32, %arg2: memref<100000xi32, #tpu.memory_space<hbm>>, %arg3: memref<16xf32, #tpu.memory_space<hbm>>, %arg4: memref<112x512xf32, #tpu.memory_space<hbm>>, %arg5: memref<100000x512xf32, #tpu.memory_space<hbm>>, %arg6: memref<112x512xf32, #tpu.memory_space<vmem>>, %arg7: memref<112x512xf32, #tpu.memory_space<vmem>>, %arg8: memref<3136xi32, #tpu.memory_space<vmem>>, %arg9: memref<16xf32, #tpu.memory_space<vmem>>, %arg10: memref<!tpu.dma_semaphore, #tpu.memory_space<semaphore_mem>>, %arg11: memref<!tpu.dma_semaphore, #tpu.memory_space<semaphore_mem>>, %arg12: memref<!tpu.dma_semaphore, #tpu.memory_space<semaphore_mem>>) attributes {dimension_semantics = [#tpu.dimension_semantics<core_parallel>, #tpu.dimension_semantics<subcore_parallel>], iteration_bounds = array<i64: 2, 16>, scalar_prefetch = 0 : i64, scratch_operands = 7 : i64, tpu.core_type = #tpu.core_type<sc_vector_subcore>, window_params = [{transform_indices = #map}, {transform_indices = #map}, {transform_indices = #map1}, {transform_indices = #map1}]} {
    %mul3A = arith.constant 2 : i32
    %mul3A_0 = arith.muli %arg1, %mul3A : i32
    %add3A = arith.addi %mul3A_0, %arg0 : i32
    %lt3A = arith.constant 29 : i32
    %lt3A_1 = arith.cmpi slt, %add3A, %lt3A : i32
    %jit3A = arith.constant 28 : i32
    %jit3A_2 = arith.constant 27 : i32
    %select_n3A = arith.select %lt3A_1, %jit3A, %jit3A_2 : i32
    tpu.enqueue_dma source(%arg4 : memref<112x512xf32, #tpu.memory_space<hbm>>) target(%arg6 : memref<112x512xf32, #tpu.memory_space<vmem>>) target_semaphore(%arg10 : memref<!tpu.dma_semaphore, #tpu.memory_space<semaphore_mem>>)
    tpu.enqueue_dma source(%arg4 : memref<112x512xf32, #tpu.memory_space<hbm>>) target(%arg7 : memref<112x512xf32, #tpu.memory_space<vmem>>) target_semaphore(%arg11 : memref<!tpu.dma_semaphore, #tpu.memory_space<semaphore_mem>>)
    %while3A = arith.constant 0 : i32
    %while3A_3 = arith.constant 0 : i32
    %while3A_4 = arith.subi %select_n3A, %while3A : i32
    %while3A_5 = arith.addi %while3A, %while3A_4 : i32
    %while3A_6 = arith.constant 1 : i32
    %while3A_7 = arith.divsi %while3A_4, %while3A_6 : i32
    %while3A_8 = arith.muli %while3A_7, %while3A_6 : i32
    %while3A_9 = arith.addi %while3A, %while3A_8 : i32
    %while3A_10 = arith.constant 1 : i32
    %while3A_11 = scf.for %while3A_45 = %while3A to %while3A_9 step %while3A_10 iter_args(%while3A_46 = %while3A_3) -> (i32)  : i32 {
      %mul3A_47 = arith.constant 32 : i32
      %mul3A_48 = arith.muli %while3A_45, %mul3A_47 : i32
      %add3A_49 = arith.addi %add3A, %mul3A_48 : i32
      %mul3A_50 = arith.constant 112 : i32
      %mul3A_51 = arith.muli %add3A_49, %mul3A_50 : i32
      %min3A = arith.constant 99888 : i32
      %min3A_52 = arith.minsi %mul3A_51, %min3A : i32
      %multiple_of3A = tpu.assume_multiple %min3A_52, 8 : i32
      %mul3A_53 = arith.constant 112 : i32
      %mul3A_54 = arith.muli %while3A_45, %mul3A_53 : i32
      %dma_start3A = tpu.memref_slice %arg8[%mul3A_54] : memref<3136xi32, #tpu.memory_space<vmem>> -> memref<112xi32, #tpu.memory_space<vmem>>
      %dma_start3A_55 = tpu.memref_slice %arg2[%multiple_of3A] : memref<100000xi32, #tpu.memory_space<hbm>> -> memref<112xi32, #tpu.memory_space<hbm>>
      %dma_start3A_56 = tpu.memref_slice %arg8[%mul3A_54] : memref<3136xi32, #tpu.memory_space<vmem>> -> memref<112xi32, #tpu.memory_space<vmem>>
      %dma_start3A_57 = tpu.memref_slice %arg2[%multiple_of3A] : memref<100000xi32, #tpu.memory_space<hbm>> -> memref<112xi32, #tpu.memory_space<hbm>>
      tpu.enqueue_dma source(%dma_start3A_57 : memref<112xi32, #tpu.memory_space<hbm>>) target(%dma_start3A_56 : memref<112xi32, #tpu.memory_space<vmem>>) target_semaphore(%arg12 : memref<!tpu.dma_semaphore, #tpu.memory_space<semaphore_mem>>)
      %while3A_58 = arith.constant 0 : i32
      scf.yield %while3A_58 : i32
    }
    %while3A_12 = arith.constant 1 : i32
    %while3A_13 = scf.for %while3A_45 = %while3A_9 to %while3A_5 step %while3A_12 iter_args(%while3A_46 = %while3A_11) -> (i32)  : i32 {
      %mul3A_47 = arith.constant 32 : i32
      %mul3A_48 = arith.muli %while3A_45, %mul3A_47 : i32
      %add3A_49 = arith.addi %add3A, %mul3A_48 : i32
      %mul3A_50 = arith.constant 112 : i32
      %mul3A_51 = arith.muli %add3A_49, %mul3A_50 : i32
      %min3A = arith.constant 99888 : i32
      %min3A_52 = arith.minsi %mul3A_51, %min3A : i32
      %multiple_of3A = tpu.assume_multiple %min3A_52, 8 : i32
      %mul3A_53 = arith.constant 112 : i32
      %mul3A_54 = arith.muli %while3A_45, %mul3A_53 : i32
      %dma_start3A = tpu.memref_slice %arg8[%mul3A_54] : memref<3136xi32, #tpu.memory_space<vmem>> -> memref<112xi32, #tpu.memory_space<vmem>>
      %dma_start3A_55 = tpu.memref_slice %arg2[%multiple_of3A] : memref<100000xi32, #tpu.memory_space<hbm>> -> memref<112xi32, #tpu.memory_space<hbm>>
      %dma_start3A_56 = tpu.memref_slice %arg8[%mul3A_54] : memref<3136xi32, #tpu.memory_space<vmem>> -> memref<112xi32, #tpu.memory_space<vmem>>
      %dma_start3A_57 = tpu.memref_slice %arg2[%multiple_of3A] : memref<100000xi32, #tpu.memory_space<hbm>> -> memref<112xi32, #tpu.memory_space<hbm>>
      tpu.enqueue_dma source(%dma_start3A_57 : memref<112xi32, #tpu.memory_space<hbm>>) target(%dma_start3A_56 : memref<112xi32, #tpu.memory_space<vmem>>) target_semaphore(%arg12 : memref<!tpu.dma_semaphore, #tpu.memory_space<semaphore_mem>>)
      %while3A_58 = arith.constant 0 : i32
      scf.yield %while3A_58 : i32
    }
    "tpu.region"() ({
      %run_scoped3A = tpu.sem_alloc : memref<!tpu.dma_semaphore, #tpu.memory_space<semaphore_mem>>
      tpu.enqueue_dma source(%arg3 : memref<16xf32, #tpu.memory_space<hbm>>) target(%arg9 : memref<16xf32, #tpu.memory_space<vmem>>) target_semaphore(%run_scoped3A : memref<!tpu.dma_semaphore, #tpu.memory_space<semaphore_mem>>)
      tpu.wait_dma2 semaphore(%run_scoped3A : memref<!tpu.dma_semaphore, #tpu.memory_space<semaphore_mem>>) src(%arg3 : memref<16xf32, #tpu.memory_space<hbm>>) dst(%arg9 : memref<16xf32, #tpu.memory_space<vmem>>)
      tpu.yield
    }) : () -> ()
    %get3A = arith.constant 0 : index
    %get3A_14 = tpu.vector_load %arg9[%get3A] {strides = array<i32>} : memref<16xf32, #tpu.memory_space<vmem>>, vector<16xf32>,
    %broadcast_in_dim3A = arith.constant 0.000000e+00 : f32
    %broadcast_in_dim3A_15 = vector.broadcast %broadcast_in_dim3A : f32 to vector<16xf32>
    %iota3A = tpu.iota {dimensions = array<i32: 0>} : vector<16xi32>
    %while3A_16 = arith.constant 0 : i32
    %while3A_17 = arith.constant 0 : i32
    %while3A_18 = arith.subi %select_n3A, %while3A_16 : i32
    %while3A_19 = arith.addi %while3A_16, %while3A_18 : i32
    %while3A_20 = arith.constant 1 : i32
    %while3A_21 = arith.divsi %while3A_18, %while3A_20 : i32
    %while3A_22 = arith.muli %while3A_21, %while3A_20 : i32
    %while3A_23 = arith.addi %while3A_16, %while3A_22 : i32
    %while3A_24 = arith.constant 1 : i32
    %while3A_25 = scf.for %while3A_45 = %while3A_16 to %while3A_23 step %while3A_24 iter_args(%while3A_46 = %while3A_17) -> (i32)  : i32 {
      %dma_wait3A_47 = arith.constant 0 : i32
      %dma_wait3A_48 = tpu.memref_slice %arg8[%dma_wait3A_47] : memref<3136xi32, #tpu.memory_space<vmem>> -> memref<112xi32, #tpu.memory_space<vmem>>
      %dma_wait3A_49 = arith.constant 0 : i32
      %dma_wait3A_50 = tpu.memref_slice %arg2[%dma_wait3A_49] : memref<100000xi32, #tpu.memory_space<hbm>> -> memref<112xi32, #tpu.memory_space<hbm>>
      %dma_wait3A_51 = arith.constant 0 : i32
      %dma_wait3A_52 = tpu.memref_slice %arg8[%dma_wait3A_51] : memref<3136xi32, #tpu.memory_space<vmem>> -> memref<112xi32, #tpu.memory_space<vmem>>
      %dma_wait3A_53 = arith.constant 0 : i32
      %dma_wait3A_54 = tpu.memref_slice %arg2[%dma_wait3A_53] : memref<100000xi32, #tpu.memory_space<hbm>> -> memref<112xi32, #tpu.memory_space<hbm>>
      tpu.wait_dma2 semaphore(%arg12 : memref<!tpu.dma_semaphore, #tpu.memory_space<semaphore_mem>>) src(%dma_wait3A_54 : memref<112xi32, #tpu.memory_space<hbm>>) dst(%dma_wait3A_52 : memref<112xi32, #tpu.memory_space<vmem>>)
      %while3A_55 = arith.constant 0 : i32
      scf.yield %while3A_55 : i32
    }
    %while3A_26 = arith.constant 1 : i32
    %while3A_27 = scf.for %while3A_45 = %while3A_23 to %while3A_19 step %while3A_26 iter_args(%while3A_46 = %while3A_25) -> (i32)  : i32 {
      %dma_wait3A_47 = arith.constant 0 : i32
      %dma_wait3A_48 = tpu.memref_slice %arg8[%dma_wait3A_47] : memref<3136xi32, #tpu.memory_space<vmem>> -> memref<112xi32, #tpu.memory_space<vmem>>
      %dma_wait3A_49 = arith.constant 0 : i32
      %dma_wait3A_50 = tpu.memref_slice %arg2[%dma_wait3A_49] : memref<100000xi32, #tpu.memory_space<hbm>> -> memref<112xi32, #tpu.memory_space<hbm>>
      %dma_wait3A_51 = arith.constant 0 : i32
      %dma_wait3A_52 = tpu.memref_slice %arg8[%dma_wait3A_51] : memref<3136xi32, #tpu.memory_space<vmem>> -> memref<112xi32, #tpu.memory_space<vmem>>
      %dma_wait3A_53 = arith.constant 0 : i32
      %dma_wait3A_54 = tpu.memref_slice %arg2[%dma_wait3A_53] : memref<100000xi32, #tpu.memory_space<hbm>> -> memref<112xi32, #tpu.memory_space<hbm>>
      tpu.wait_dma2 semaphore(%arg12 : memref<!tpu.dma_semaphore, #tpu.memory_space<semaphore_mem>>) src(%dma_wait3A_54 : memref<112xi32, #tpu.memory_space<hbm>>) dst(%dma_wait3A_52 : memref<112xi32, #tpu.memory_space<vmem>>)
      %while3A_55 = arith.constant 0 : i32
      scf.yield %while3A_55 : i32
    }
    %scan3A = arith.constant 0 : i32
    %scan3A_28 = arith.constant 0 : i32
    %scan3A_29 = arith.constant 14 : i32
    %scan3A_30 = arith.addi %scan3A_28, %scan3A_29 : i32
    %scan3A_31 = arith.constant 1 : i32
    %scan3A_32 = scf.for %scan3A_45 = %scan3A_28 to %scan3A_30 step %scan3A_31 iter_args(%scan3A_46 = %scan3A) -> (i32)  : i32 {
      %mul3A_47 = arith.constant 2 : i32
      %mul3A_48 = arith.muli %mul3A_47, %scan3A_45 : i32
      %add3A_49 = arith.constant 0 : i32
      %add3A_50 = arith.addi %mul3A_48, %add3A_49 : i32
      %lt3A_51 = arith.cmpi slt, %add3A_50, %select_n3A : i32
      %convert_element_type3A = arith.extui %lt3A_51 : i1 to i32
      %cond3A = arith.constant 0 : i32
      %cond3A_52 = arith.cmpi ne, %convert_element_type3A, %cond3A : i32
      scf.if %cond3A_52 {
        %mul3A_62 = arith.constant 32 : i32
        %mul3A_63 = arith.muli %add3A_50, %mul3A_62 : i32
        %add3A_64 = arith.addi %add3A, %mul3A_63 : i32
        %mul3A_65 = arith.constant 112 : i32
        %mul3A_66 = arith.muli %add3A_64, %mul3A_65 : i32
        %min3A = arith.constant 99888 : i32
        %min3A_67 = arith.minsi %mul3A_66, %min3A : i32
        %multiple_of3A = tpu.assume_multiple %min3A_67, 8 : i32
        %dma_wait3A_68 = arith.constant 0 : i32
        %dma_wait3A_69 = arith.constant 0 : i32
        %dma_wait3A_70 = tpu.memref_slice %arg5[%dma_wait3A_68, %dma_wait3A_69] : memref<100000x512xf32, #tpu.memory_space<hbm>> -> memref<112x512xf32, #tpu.memory_space<hbm>>
        %dma_wait3A_71 = arith.constant 0 : i32
        %dma_wait3A_72 = arith.constant 0 : i32
        %dma_wait3A_73 = tpu.memref_slice %arg5[%dma_wait3A_71, %dma_wait3A_72] : memref<100000x512xf32, #tpu.memory_space<hbm>> -> memref<112x512xf32, #tpu.memory_space<hbm>>
        tpu.wait_dma2 semaphore(%arg10 : memref<!tpu.dma_semaphore, #tpu.memory_space<semaphore_mem>>) src(%arg6 : memref<112x512xf32, #tpu.memory_space<vmem>>) dst(%dma_wait3A_73 : memref<112x512xf32, #tpu.memory_space<hbm>>)
        %ge3A = arith.constant 2 : i32
        %ge3A_74 = arith.cmpi sge, %add3A_50, %ge3A : i32
        %convert_element_type3A_75 = arith.extui %ge3A_74 : i1 to i32
        %cond3A_76 = arith.constant 0 : i32
        %cond3A_77 = arith.cmpi ne, %convert_element_type3A_75, %cond3A_76 : i32
        scf.if %cond3A_77 {
          %sub3A = arith.constant 2 : i32
          %sub3A_90 = arith.subi %add3A_50, %sub3A : i32
          %mul3A_91 = arith.constant 112 : i32
          %mul3A_92 = arith.muli %sub3A_90, %mul3A_91 : i32
          %scan3A_93 = arith.constant 0 : i32
          %scan3A_94 = arith.constant 0 : i32
          %scan3A_95 = arith.constant 7 : i32
          %scan3A_96 = arith.addi %scan3A_94, %scan3A_95 : i32
          %scan3A_97 = arith.constant 1 : i32
          %scan3A_98 = scf.for %scan3A_100 = %scan3A_94 to %scan3A_96 step %scan3A_97 iter_args(%scan3A_101 = %scan3A_93) -> (i32)  : i32 {
            %mul3A_102 = arith.constant 16 : i32
            %mul3A_103 = arith.muli %scan3A_100, %mul3A_102 : i32
            %add3A_104 = arith.addi %mul3A_92, %mul3A_103 : i32
            %get3A_105 = arith.index_cast %add3A_104 : i32 to index
            %get3A_106 = tpu.vector_load %arg8[%get3A_105] {strides = array<i32>} : memref<3136xi32, #tpu.memory_space<vmem>>, vector<16xi32>,
            %mul3A_107 = arith.constant 16 : i32
            %mul3A_108 = arith.muli %scan3A_100, %mul3A_107 : i32
            %add3A_109 = vector.broadcast %mul3A_108 : i32 to vector<16xi32>
            %add3A_110 = arith.addi %iota3A, %add3A_109 : vector<16xi32>
            tpu.vector_store_idx %arg6[%add3A_110, %get3A_106], %broadcast_in_dim3A_15 : memref<112x512xf32, #tpu.memory_space<vmem>>[vector<16xi32>, vector<16xi32>], vector<16xf32>,
            %scan3A_111 = arith.constant 0 : i32
            scf.yield %scan3A_111 : i32
          }
          %scan3A_99 = arith.constant 7 : i32
        } else {
        }
        %mul3A_78 = arith.constant 112 : i32
        %mul3A_79 = arith.muli %add3A_50, %mul3A_78 : i32
        %scan3A_80 = arith.constant 0 : i32
        %scan3A_81 = arith.constant 0 : i32
        %scan3A_82 = arith.constant 7 : i32
        %scan3A_83 = arith.addi %scan3A_81, %scan3A_82 : i32
        %scan3A_84 = arith.constant 1 : i32
        %scan3A_85 = scf.for %scan3A_90 = %scan3A_81 to %scan3A_83 step %scan3A_84 iter_args(%scan3A_91 = %scan3A_80) -> (i32)  : i32 {
          %mul3A_92 = arith.constant 16 : i32
          %mul3A_93 = arith.muli %scan3A_90, %mul3A_92 : i32
          %add3A_94 = arith.addi %mul3A_79, %mul3A_93 : i32
          %get3A_95 = arith.index_cast %add3A_94 : i32 to index
          %get3A_96 = tpu.vector_load %arg8[%get3A_95] {strides = array<i32>} : memref<3136xi32, #tpu.memory_space<vmem>>, vector<16xi32>,
          %mul3A_97 = arith.constant 16 : i32
          %mul3A_98 = arith.muli %scan3A_90, %mul3A_97 : i32
          %add3A_99 = vector.broadcast %mul3A_98 : i32 to vector<16xi32>
          %add3A_100 = arith.addi %iota3A, %add3A_99 : vector<16xi32>
          tpu.vector_store_idx %arg6[%add3A_100, %get3A_96], %get3A_14 : memref<112x512xf32, #tpu.memory_space<vmem>>[vector<16xi32>, vector<16xi32>], vector<16xf32>,
          %scan3A_101 = arith.constant 0 : i32
          scf.yield %scan3A_101 : i32
        }
        %scan3A_86 = arith.constant 7 : i32
        %dma_start3A = arith.constant 0 : i32
        %dma_start3A_87 = tpu.memref_slice %arg5[%multiple_of3A, %dma_start3A] : memref<100000x512xf32, #tpu.memory_space<hbm>> -> memref<112x512xf32, #tpu.memory_space<hbm>>
        %dma_start3A_88 = arith.constant 0 : i32
        %dma_start3A_89 = tpu.memref_slice %arg5[%multiple_of3A, %dma_start3A_88] : memref<100000x512xf32, #tpu.memory_space<hbm>> -> memref<112x512xf32, #tpu.memory_space<hbm>>
        tpu.enqueue_dma source(%arg6 : memref<112x512xf32, #tpu.memory_space<vmem>>) target(%dma_start3A_89 : memref<112x512xf32, #tpu.memory_space<hbm>>) target_semaphore(%arg10 : memref<!tpu.dma_semaphore, #tpu.memory_space<semaphore_mem>>)
      } else {
      }
      %mul3A_53 = arith.constant 2 : i32
      %mul3A_54 = arith.muli %mul3A_53, %scan3A_45 : i32
      %add3A_55 = arith.constant 1 : i32
      %add3A_56 = arith.addi %mul3A_54, %add3A_55 : i32
      %lt3A_57 = arith.cmpi slt, %add3A_56, %select_n3A : i32
      %convert_element_type3A_58 = arith.extui %lt3A_57 : i1 to i32
      %cond3A_59 = arith.constant 0 : i32
      %cond3A_60 = arith.cmpi ne, %convert_element_type3A_58, %cond3A_59 : i32
      scf.if %cond3A_60 {
        %mul3A_62 = arith.constant 32 : i32
        %mul3A_63 = arith.muli %add3A_56, %mul3A_62 : i32
        %add3A_64 = arith.addi %add3A, %mul3A_63 : i32
        %mul3A_65 = arith.constant 112 : i32
        %mul3A_66 = arith.muli %add3A_64, %mul3A_65 : i32
        %min3A = arith.constant 99888 : i32
        %min3A_67 = arith.minsi %mul3A_66, %min3A : i32
        %multiple_of3A = tpu.assume_multiple %min3A_67, 8 : i32
        %dma_wait3A_68 = arith.constant 0 : i32
        %dma_wait3A_69 = arith.constant 0 : i32
        %dma_wait3A_70 = tpu.memref_slice %arg5[%dma_wait3A_68, %dma_wait3A_69] : memref<100000x512xf32, #tpu.memory_space<hbm>> -> memref<112x512xf32, #tpu.memory_space<hbm>>
        %dma_wait3A_71 = arith.constant 0 : i32
        %dma_wait3A_72 = arith.constant 0 : i32
        %dma_wait3A_73 = tpu.memref_slice %arg5[%dma_wait3A_71, %dma_wait3A_72] : memref<100000x512xf32, #tpu.memory_space<hbm>> -> memref<112x512xf32, #tpu.memory_space<hbm>>
        tpu.wait_dma2 semaphore(%arg11 : memref<!tpu.dma_semaphore, #tpu.memory_space<semaphore_mem>>) src(%arg7 : memref<112x512xf32, #tpu.memory_space<vmem>>) dst(%dma_wait3A_73 : memref<112x512xf32, #tpu.memory_space<hbm>>)
        %ge3A = arith.constant 2 : i32
        %ge3A_74 = arith.cmpi sge, %add3A_56, %ge3A : i32
        %convert_element_type3A_75 = arith.extui %ge3A_74 : i1 to i32
        %cond3A_76 = arith.constant 0 : i32
        %cond3A_77 = arith.cmpi ne, %convert_element_type3A_75, %cond3A_76 : i32
        scf.if %cond3A_77 {
          %sub3A = arith.constant 2 : i32
          %sub3A_90 = arith.subi %add3A_56, %sub3A : i32
          %mul3A_91 = arith.constant 112 : i32
          %mul3A_92 = arith.muli %sub3A_90, %mul3A_91 : i32
          %scan3A_93 = arith.constant 0 : i32
          %scan3A_94 = arith.constant 0 : i32
          %scan3A_95 = arith.constant 7 : i32
          %scan3A_96 = arith.addi %scan3A_94, %scan3A_95 : i32
          %scan3A_97 = arith.constant 1 : i32
          %scan3A_98 = scf.for %scan3A_100 = %scan3A_94 to %scan3A_96 step %scan3A_97 iter_args(%scan3A_101 = %scan3A_93) -> (i32)  : i32 {
            %mul3A_102 = arith.constant 16 : i32
            %mul3A_103 = arith.muli %scan3A_100, %mul3A_102 : i32
            %add3A_104 = arith.addi %mul3A_92, %mul3A_103 : i32
            %get3A_105 = arith.index_cast %add3A_104 : i32 to index
            %get3A_106 = tpu.vector_load %arg8[%get3A_105] {strides = array<i32>} : memref<3136xi32, #tpu.memory_space<vmem>>, vector<16xi32>,
            %mul3A_107 = arith.constant 16 : i32
            %mul3A_108 = arith.muli %scan3A_100, %mul3A_107 : i32
            %add3A_109 = vector.broadcast %mul3A_108 : i32 to vector<16xi32>
            %add3A_110 = arith.addi %iota3A, %add3A_109 : vector<16xi32>
            tpu.vector_store_idx %arg7[%add3A_110, %get3A_106], %broadcast_in_dim3A_15 : memref<112x512xf32, #tpu.memory_space<vmem>>[vector<16xi32>, vector<16xi32>], vector<16xf32>,
            %scan3A_111 = arith.constant 0 : i32
            scf.yield %scan3A_111 : i32
          }
          %scan3A_99 = arith.constant 7 : i32
        } else {
        }
        %mul3A_78 = arith.constant 112 : i32
        %mul3A_79 = arith.muli %add3A_56, %mul3A_78 : i32
        %scan3A_80 = arith.constant 0 : i32
        %scan3A_81 = arith.constant 0 : i32
        %scan3A_82 = arith.constant 7 : i32
        %scan3A_83 = arith.addi %scan3A_81, %scan3A_82 : i32
        %scan3A_84 = arith.constant 1 : i32
        %scan3A_85 = scf.for %scan3A_90 = %scan3A_81 to %scan3A_83 step %scan3A_84 iter_args(%scan3A_91 = %scan3A_80) -> (i32)  : i32 {
          %mul3A_92 = arith.constant 16 : i32
          %mul3A_93 = arith.muli %scan3A_90, %mul3A_92 : i32
          %add3A_94 = arith.addi %mul3A_79, %mul3A_93 : i32
          %get3A_95 = arith.index_cast %add3A_94 : i32 to index
          %get3A_96 = tpu.vector_load %arg8[%get3A_95] {strides = array<i32>} : memref<3136xi32, #tpu.memory_space<vmem>>, vector<16xi32>,
          %mul3A_97 = arith.constant 16 : i32
          %mul3A_98 = arith.muli %scan3A_90, %mul3A_97 : i32
          %add3A_99 = vector.broadcast %mul3A_98 : i32 to vector<16xi32>
          %add3A_100 = arith.addi %iota3A, %add3A_99 : vector<16xi32>
          tpu.vector_store_idx %arg7[%add3A_100, %get3A_96], %get3A_14 : memref<112x512xf32, #tpu.memory_space<vmem>>[vector<16xi32>, vector<16xi32>], vector<16xf32>,
          %scan3A_101 = arith.constant 0 : i32
          scf.yield %scan3A_101 : i32
        }
        %scan3A_86 = arith.constant 7 : i32
        %dma_start3A = arith.constant 0 : i32
        %dma_start3A_87 = tpu.memref_slice %arg5[%multiple_of3A, %dma_start3A] : memref<100000x512xf32, #tpu.memory_space<hbm>> -> memref<112x512xf32, #tpu.memory_space<hbm>>
        %dma_start3A_88 = arith.constant 0 : i32
        %dma_start3A_89 = tpu.memref_slice %arg5[%multiple_of3A, %dma_start3A_88] : memref<100000x512xf32, #tpu.memory_space<hbm>> -> memref<112x512xf32, #tpu.memory_space<hbm>>
        tpu.enqueue_dma source(%arg7 : memref<112x512xf32, #tpu.memory_space<vmem>>) target(%dma_start3A_89 : memref<112x512xf32, #tpu.memory_space<hbm>>) target_semaphore(%arg11 : memref<!tpu.dma_semaphore, #tpu.memory_space<semaphore_mem>>)
      } else {
      }
      %scan3A_61 = arith.constant 0 : i32
      scf.yield %scan3A_61 : i32
    }
    %scan3A_33 = arith.constant 14 : i32
    %dma_wait3A = arith.constant 0 : i32
    %dma_wait3A_34 = arith.constant 0 : i32
    %dma_wait3A_35 = tpu.memref_slice %arg5[%dma_wait3A, %dma_wait3A_34] : memref<100000x512xf32, #tpu.memory_space<hbm>> -> memref<112x512xf32, #tpu.memory_space<hbm>>
    %dma_wait3A_36 = arith.constant 0 : i32
    %dma_wait3A_37 = arith.constant 0 : i32
    %dma_wait3A_38 = tpu.memref_slice %arg5[%dma_wait3A_36, %dma_wait3A_37] : memref<100000x512xf32, #tpu.memory_space<hbm>> -> memref<112x512xf32, #tpu.memory_space<hbm>>
    tpu.wait_dma2 semaphore(%arg10 : memref<!tpu.dma_semaphore, #tpu.memory_space<semaphore_mem>>) src(%arg6 : memref<112x512xf32, #tpu.memory_space<vmem>>) dst(%dma_wait3A_38 : memref<112x512xf32, #tpu.memory_space<hbm>>)
    %dma_wait3A_39 = arith.constant 0 : i32
    %dma_wait3A_40 = arith.constant 0 : i32
    %dma_wait3A_41 = tpu.memref_slice %arg5[%dma_wait3A_39, %dma_wait3A_40] : memref<100000x512xf32, #tpu.memory_space<hbm>> -> memref<112x512xf32, #tpu.memory_space<hbm>>
    %dma_wait3A_42 = arith.constant 0 : i32
    %dma_wait3A_43 = arith.constant 0 : i32
    %dma_wait3A_44 = tpu.memref_slice %arg5[%dma_wait3A_42, %dma_wait3A_43] : memref<100000x512xf32, #tpu.memory_space<hbm>> -> memref<112x512xf32, #tpu.memory_space<hbm>>
    tpu.wait_dma2 semaphore(%arg11 : memref<!tpu.dma_semaphore, #tpu.memory_space<semaphore_mem>>) src(%arg7 : memref<112x512xf32, #tpu.memory_space<vmem>>) dst(%dma_wait3A_44 : memref<112x512xf32, #tpu.memory_space<hbm>>)
    return
  }
}

</mosaic_0001>

<sc_bundles>
// kernel: kernel.3.cloned.1.call-start
scs
__scs_entry_jumppad:
0x0: {  	(pc) =	sbr.rel $0x88, $3  }
0x1: {  	(tag) =	ssettag $0x0;
	lr =	simm.s32 $0x1  }
0x2: {  	[smem:$0x3F9F] =	sst lr;
	_ =	strace $0xD0000000  }
0x3: {  	_ = 	snop  }
0x4: {  	_ = 	snop  }
0x5: {  	_ = 	snop  }
0x6: {  	_ = 	snop  }
0x7: {  	_ = 	snop  }
__scs_overlays_trampoline_lowered:
0x8: {  	[smem:$0x3FAE] =	sst s0  }
0x9: {  	[smem:$0x3FAF] =	sst s1  }
0xa: {  	[smem:$0x3FB0] =	sst s2  }
0xb: {  	[smem:$0x3FB1] =	sst s3  }
0xc: {  	[smem:$0x3FB2] =	sst s4  }
0xd: {  	[smem:$0x3FB3] =	sst s5  }
0xe: {  	[smem:$0x3FB4] =	sst s6  }
0xf: {  	[smem:$0x3FB5] =	sst s7  }
0x10: {  	[smem:$0x3FB6] =	sst s8  }
0x11: {  	[smem:$0x3FB7] =	sst s9;
	s0 =	simm.s32 @!p0 $0x0  }
0x12: {  	s1 =	sld [smem:$0x3F9D];
	s0 =	simm.s32 @p0 $0x1  }
0x13: {  	[smem:$0x3FB8] =	sst s0;
	s0 =	simm.s32 @!p1 $0x0  }
0x14: {  	s2 =	sld [smem:$0x3F9C];
	s0 =	simm.s32 @p1 $0x1  }
0x15: {  	[smem:$0x3FB9] =	sst s0;
	s0 =	simm.s32 @!p2 $0x0  }
0x16: {  	s3 =	sld [smem:$0x3FDB];
	s0 =	simm.s32 @p2 $0x1  }
0x17: {  	s4 =	simm.s32 $0x1BF5;
	[smem:$0x3FBB] =	sst s0  }
0x18: {  	s0 =	sld [smem:$0x3F9E];
	_ =	swait.ge [sflag:s4], $0x0  }
0x19: {  	s7 =	sld [smem:$0x3F9F]  }
0x1a: {  	s8 =	sadd.s32 $0xFFFFE003, lr  }
0x1b: {  	s9 =	sadd.s32 $0xFFFFFEF7, lr;
	s5 =	simm.s32 $0xFFFFFFFF;
	p2 =	slt.u32 s8, $0xFFFFF086  }
0x1c: {  	p1 =	slt.u32 s9, $0xF7A;
	s5 =	simm.s32 @!p2 $0x0  }
0x1d: {  	s5 =	simm.s32 @p1 $0x1;
	p0 =	seq.s32 s7, s2  }
0x1e: {  	s7 =	smul.u32 @!p0 $0xF7A, s2;
	p2 =	seq.s32 @!p0 s5, $0x0  }
0x1f: {  	s9 =	smul.u32 $0xF7A, s1;
	s8 =	simm.s32 @!p0 $0x1BF5;
	p2 =	por !p2, p0  }
0x20: {  	[sflag:s8] =	ssyncset.s32 @!p0 $0xFFFFF086;
	s6 =	sadd.s32 @!p0 s3, s7;
	s7 =	simm.s32 @!p0 $0x108  }
0x21: {  	s3 =	sadd.s32 s3, s9;
	s6 =	sadd.s32 @!p0 $0x88, s6;
	s7 =	simm.s32 @p2 $0x1082  }
0x22: {  	[simem:s7], [sflag:s8] =	dma.local @!p0 [hbm:s6], $0xF7A  }
0x23: {  	s9 =	sor.u32 $0xD0000000, s2;
	s6 =	simm.s32 $0x108;
	_ =	swait.ge @!p0 [sflag:s8], $0x0  }
0x24: {  	s3 =	sadd.s32 $0x88, s3;
	s6 =	simm.s32 @!p1 $0x1082;
	[sflag:s4] =	ssyncset.s32 $0xFFFFF086  }
0x25: {  	[simem:s6], [sflag:s4] =	dma.local [hbm:s3], $0xF7A  }
0x26: {  	[smem:$0x3F9F] =	sst s1;
	(tag) =	ssettag s2;
	_ =	strace s9  }
0x27: {  	s1 =	sld [smem:$0x3FAF]  }
0x28: {  	s2 =	sld [smem:$0x3FB0]  }
0x29: {  	s4 =	sld [smem:$0x3FB2]  }
0x2a: {  	p0 =	seq.s32 s5, $0x0;
	s5 =	sld [smem:$0x3FB3]  }
0x2b: {  	s6 =	sld [smem:$0x3FB4]  }
0x2c: {  	s7 =	sld [smem:$0x3FB5]  }
0x2d: {  	s3 =	simm.s32 $0x108;
	s8 =	sld [smem:$0x3FB6]  }
0x2e: {  	s3 =	simm.s32 @!p0 $0x1082;
	s9 =	sld [smem:$0x3FB7]  }
0x2f: {  	lr =	sadd.s32 s0, s3;
	s0 =	sld [smem:$0x3FAE]  }
0x30: {  	s3 =	sld [smem:$0x3FB1]  }
0x31: {  	[smem:$0x3FBA] =	sst s10  }
0x32: {  	s10 =	sld [smem:$0x3FB8];
	_ =	sdelay $0x3  }
0x33: {  	p0 =	seq.s32 s10, $0x1;
	s10 =	sld [smem:$0x3FBA];
	_ =	sdelay $0x3  }
0x34: {  	[smem:$0x3FBA] =	sst s10  }
0x35: {  	s10 =	sld [smem:$0x3FB9];
	_ =	sdelay $0x3  }
0x36: {  	p1 =	seq.s32 s10, $0x1;
	s10 =	sld [smem:$0x3FBA];
	_ =	sdelay $0x3  }
0x37: {  	[smem:$0x3FBA] =	sst s10  }
0x38: {  	s10 =	sld [smem:$0x3FBB]  }
0x39: {  	_ = 	snop;
	(pc) =	sbr.ind lr, $3  }
0x3a: {  	_ = 	snop  }
0x3b: {  	_ = 	snop  }
0x3c: {  	p2 =	seq.s32 s10, $0x1;
	s10 =	sld [smem:$0x3FBA]  }
0x3d: {  	_ =	shalt  }
0x3e: {  	_ =	shalt  }
0x3f: {  	_ =	shalt  }
0x40: {  	_ =	shalt  }
0x41: {  	_ =	shalt  }
0x42: {  	_ =	shalt  }
0x43: {  	_ =	shalt  }
0x44: {  	_ =	shalt  }
0x45: {  	_ =	shalt  }
0x46: {  	_ =	shalt  }
0x47: {  	_ =	shalt  }
0x48: {  	_ =	shalt  }
0x49: {  	_ =	shalt  }
0x4a: {  	_ =	shalt  }
0x4b: {  	_ =	shalt  }
0x4c: {  	_ =	shalt  }
0x4d: {  	_ =	shalt  }
0x4e: {  	_ =	shalt  }
0x4f: {  	_ =	shalt  }
0x50: {  	_ =	shalt  }
0x51: {  	_ =	shalt  }
0x52: {  	_ =	shalt  }
0x53: {  	_ =	shalt  }
0x54: {  	_ =	shalt  }
0x55: {  	_ =	shalt  }
0x56: {  	_ =	shalt  }
0x57: {  	_ =	shalt  }
0x58: {  	_ =	shalt  }
0x59: {  	_ =	shalt  }
0x5a: {  	_ =	shalt  }
0x5b: {  	_ =	shalt  }
0x5c: {  	_ =	shalt  }
0x5d: {  	_ =	shalt  }
0x5e: {  	_ =	shalt  }
0x5f: {  	_ =	shalt  }
0x60: {  	_ =	shalt  }
0x61: {  	_ =	shalt  }
0x62: {  	_ =	shalt  }
0x63: {  	_ =	shalt  }
0x64: {  	_ =	shalt  }
0x65: {  	_ =	shalt  }
0x66: {  	_ =	shalt  }
0x67: {  	_ =	shalt  }
0x68: {  	_ =	shalt  }
0x69: {  	_ =	shalt  }
0x6a: {  	_ =	shalt  }
0x6b: {  	_ =	shalt  }
0x6c: {  	_ =	shalt  }
0x6d: {  	_ =	shalt  }
0x6e: {  	_ =	shalt  }
0x6f: {  	_ =	shalt  }
0x70: {  	_ =	shalt  }
0x71: {  	_ =	shalt  }
0x72: {  	_ =	shalt  }
0x73: {  	_ =	shalt  }
0x74: {  	_ =	shalt  }
0x75: {  	_ =	shalt  }
0x76: {  	_ =	shalt  }
0x77: {  	_ =	shalt  }
0x78: {  	_ =	shalt  }
0x79: {  	_ =	shalt  }
0x7a: {  	_ =	shalt  }
0x7b: {  	_ =	shalt  }
0x7c: {  	_ =	shalt  }
0x7d: {  	_ =	shalt  }
0x7e: {  	_ =	shalt  }
0x7f: {  	_ =	shalt  }
0x80: {  	_ =	shalt  }
0x81: {  	_ =	shalt  }
0x82: {  	_ =	shalt  }
0x83: {  	_ =	shalt  }
0x84: {  	_ =	shalt  }
0x85: {  	_ =	shalt  }
0x86: {  	_ =	shalt  }
0x87: {  	_ =	shalt  }
.Lfunc_end0:
.L_simem_size_0:
called_computation_lowered:
.L_overlay_start_0:
0x88: {  	s2 =	sld [smem:$0x3FD9]  }
0x89: {  	s3 =	sld [smem:$0x3FFE];
	_ =	sdelay $0x1  }
0x8a: {  	s1 =	srdreg.scid  }
0x8b: {  	s0 =	sand.u32 $0x1, s1  }
0x8c: {  	s17 =	sshll.u32 s0, $0xA;
	s2 =	sadd.s32 s3, s2  }
0x8d: {  	s2 =	sadd.s32 s2, s17  }
0x8e: {  	[smem:$0x3FC6] =	sst s2  }
0x8f: {  	_ = 	snop  }
0x90: {  	s2 =	sld [smem:$0x3FC9]  }
0x91: {  	s18 =	sld [smem:$0x3FD0];
	(tm) =	ssettm $0x1  }
0x92: {  	s4 =	sld [smem:$0x3FFB];
	_ =	sdelay $0x3  }
0x93: {  	_ =	strace s4  }
0x94: {  	s4 =	sld [smem:$0x3FFC];
	_ =	sdelay $0x3  }
0x95: {  	_ =	strace s4  }
0x96: {  	s4 =	sld [smem:$0x3FFD];
	_ =	sdelay $0x3  }
0x97: {  	_ =	strace s4  }
0x98: {  	_ =	strace $0x8FFFFFFF  }
0x99: {  	s19 =	sld [smem:$0x3FDB];
	_ =	sdelay $0x1  }
0x9a: {  	s5 =	simm.s32 $_scs_section_size  }
0x9b: {  	s6 =	simm.s32 $_size__tile_overlayer_lowered;
	s7 =	simm.s32 $_tile_overlayer_lowered  }
0x9c: {  	s22 =	simm.s32 $0x1BFF;
	s21 =	sshll.u32 s7, $0x1;
	s4 =	sadd.s32 s5, s19  }
0x9d: {  	s8 =	simm.s32 $0x0;
	s20 =	sshll.u32 s6, $0x1;
	s6 =	sadd.s32 s21, s4  }
0x9e: {  	[timem:s8], [sflag:s22] =	dma.local [hbm:s6], s20  }
0x9f: {  	_ =	swait.ge [sflag:s22], s20  }
0xa0: {  	s5 =	ssub.s32 $0x0, s20;
	[sflag:s22] =	ssyncset.done $0x0  }
0xa1: {  	[sflag:s22] =	ssyncadd.s32 s5;
	_ =	sdelay $0x1  }
0xa2: {  	s23 =	simm.s32 $0x1B8B  }
0xa3: {  	_ =	swait.ge [sflag:s23], $0x1  }
0xa4: {  	[sflag:s23] =	ssyncset.done $0x0  }
0xa5: {  	s25 =	simm.s32 $0x1B8E;
	s24 =	sld [smem:$0x3FFE];
	[sflag:s23] =	ssyncadd.s32 $0xFFFFFFFF  }
0xa6: {  	s26 =	simm.s32 $execute0_lowered;
	[smem:$0x3FD2] =	sst s25  }
0xa7: {  	s6 =	sshll.u32 s26, $0x1;
	_ =	strace $0x80000046;
	[dreg:$0x1] =	wrdreg $0xFFFFFFFF  }
0xa8: {  	s28 =	simm.s32 $_size_execute0_lowered;
	s4 =	sadd.s32 s4, s6;
	[dreg:$0x0] =	wrdreg $0x0  }
0xa9: {  	s6 =	sshll.u32 s28, $0x1;
	[dreg:$0x2] =	wrdreg s4  }
0xaa: {  	[dreg:$0x3] =	wrdreg s6  }
0xab: {  	[dreg:$0x4] =	wrdreg $0xC0  }
0xac: {  	_ =	task [dreg:s8], $0x5FFFF  }
0xad: {  	[dreg:$0x1] =	wrdreg $0xFFFFFFFF  }
0xae: {  	[dreg:$0x0] =	wrdreg $0x60  }
0xaf: {  	[dreg:$0x2] =	wrdreg s2  }
0xb0: {  	[dreg:$0x3] =	wrdreg s24  }
0xb1: {  	[dreg:$0x4] =	wrdreg s18  }
0xb2: {  	[dreg:$0x5] =	wrdreg $0x9  }
0xb3: {  	_ =	task.clear_ibuf [dreg:s8], $0x6FFFF;
	_ =	strace $0x90000046  }
0xb4: {  	s29 =	simm.s32 $0x9;
	_ =	strace $0x80000048  }
0xb5: {  	_ =	swait.ge [sflag:s29], $0x1  }
0xb6: {  	[sflag:s29] =	ssyncadd.s32 $0xFFFFFFFF  }
0xb7: {  	_ =	strace $0x90000048  }
0xb8: {  	_ =	sfence  }
0xb9: {  	s30 =	sld [smem:$0x0];
	_ =	sdelay $0x2  }
0xba: {  	s31 =	sshll.u32 s1, $0xD;
	s1 =	sshrl.u32 s1, $0x2  }
0xbb: {  	s3 =	sand.u32 $0x4000, s31;
	s1 =	sadd.s32 s1, s30  }
0xbc: {  	s0 =	sor.u32 s3, s0;
	s1 =	sshll.u32 s1, $0x11  }
0xbd: {  	s0 =	sor.u32 s1, s0  }
0xbe: {  	s0 =	sadd.s32 $0x8F2B, s0  }
0xbf: {  	[sflag:s0] =	ssyncadd.remote.s32 $0x1  }
0xc0: {  	_ =	sfence.sel $0xFFFF  }
0xc1: {  	[dreg:$0x0] =	wrdreg $0xFFFFFFFF;
	(pc) =	sbr.abs _section_cstart, $3  }
0xc2: {  	[dreg:$0x1] =	wrdreg $0xFFFFFFFF  }
0xc3: {  	_ =	task.clear_ibuf [dreg:s8], $0x2FFFF;
	_ =	strace $0x9FFFFFFF  }
0xc4: {  	(tm) =	ssettm $0x7FFFFFFF  }
0xc5: {  	_ =	shalt  }
tec
execute0_lowered:
.L_overlay_start_1:
0x0: {  	(tag) =	ssettag $0x1  }
0x1: {  	s1 =	rddreg [dreg:$0x0]  }
0x2: {  	s8 =	rddreg [dreg:$0x1]  }
0x3: {  	s2 =	rddreg [dreg:$0x2]  }
0x4: {  	s0 =	rddreg [dreg:$0x3];
	s4 =	simm.s32 $0x0  }
0x5: {  	s5 =	srdreg.scid;
	s3 =	stileid.u32;
	s7 =	simm.s32 $0x1B  }
0x6: {  	s14 =	simm.s32 $0x3;
	s15 =	simm.s32 $0x1;
	s16 =	simm.s32 $0x2  }
0x7: {  	s17 =	simm.s32 $0x0;
	[smem:$0x7FF] =	sst s4;
	s9 =	sand.u32 $0x1, s5  }
0x8: {  	s5 =	sadd.s32 $0x400, s8;
	s6 =	sshll.u32 s3, $0x1;
	s12 =	smul.u32 $0xE0, s3  }
.Ltmp0:
0x9: {  	s8 =	sadd.s32 $0x600, s8;
	s10 =	ssub.s32 $0x2, s9;
	(pc) =	sbr.rel .LBB2_1-.Ltmp0, $4  }
0xa: {  	s6 =	sor.u32 s9, s6;
	s13 =	smul.u32 $0x70, s9;
	s11 =	sshrl.u32 s10, $0x1  }
0xb: {  	v0 =	vlaneseq.u32;
	_ =	strace $0x80000047;
	p0 =	sgt.u32 s6, $0x1C;
	s31 =	ssub.s32 s10, s11  }
0xc: {  	v1 =	vand.u32 $0x7, v0;
	s7 =	simm.s32 @!p0 $0x1C;
	s10 =	sadd.s32 s13, s12;
	s11 =	simm.s32 $0xE000  }
0xd: {  	v2 =	vimm.f32 $0.0e+00;
	v0 =	vmul.u32 $0x200, v0;
	v1 =	vmul.u32 $0x80, v1;
	s12 =	simm.s32 $0x1CC80;
	s13 =	simm.s32 $0x4;
	s9 =	smax.u32 s31, $0x1  }
.LBB2_23:
0xe: {  	s17 =	sadd.s32 $0x1, s17  }
0xf: {  	_ =	swait.ge [sflag:s15], $0xE000;
	p0 =	sne.s32 s17, s9  }
.Ltmp1:
0x10: {  	[sflag:s15] =	ssyncset.done $0x0;
	(pc) =	sbr.rel @!p0 .LBB2_24-.Ltmp1, $4  }
0x11: {  	[sflag:s15] =	ssyncadd.s32 $0xFFFF2000  }
0x12: {  	_ =	swait.ge [sflag:s16], $0xE000  }
0x13: {  	[sflag:s16] =	ssyncset.done $0x0  }
0x14: {  	[sflag:s16] =	ssyncadd.s32 $0xFFFF2000  }
.LBB2_1:
0x15: {  	[tilespmem:s4], [sflag:$0x1] =	stream.linear.gather [hbm4b:s8+s4], $0xE000, $0x38;
	[tilespmem:$0x1CD00] =	vst v63  }
0x16: {  	p0 =	slt.s32 s10, $0x18630;
	s18 =	smov.u32 s10  }
0x17: {  	s18 =	simm.s32 @!p0 $0x18630;
	p0 =	sne.s32 s7, $0x1  }
0x18: {  	[tilespmem:s11], [sflag:$0x2] =	stream.linear.gather [hbm4b:s8+s4], $0xE000, $0x38;
	[tilespmem:$0x1CD00] =	vst v63  }
.Ltmp2:
0x19: {  	_ = 	snop;
	(pc) =	sbr.rel @!p0 .LBB2_3-.Ltmp2, $4  }
0x1a: {  	s19 =	sshrl.u32 s18, $0x3  }
0x1b: {  	s18 =	simm.s32 $0x1C000;
	s19 =	sadd.s32 s1, s19  }
0x1c: {  	[tilespmem:s18], [sflag:$0x3] =	stream.linear.gather [hbm4b:s19+s4], $0x70, $0x38;
	[tilespmem:$0x1CD00] =	vst v63  }
0x1d: {  	s20 =	sadd.s32 $0xE00, s10;
	s19 =	sadd.s32 $0xFFFFFFFF, s7  }
.LBB2_2:
0x1e: {  	p0 =	slt.s32 s20, $0x18630  }
0x1f: {  	p1 =	sne.s32 s19, $0x1;
	s19 =	sadd.s32 $0xFFFFFFFF, s19;
	s21 =	smov.u32 s20  }
.Ltmp3:
0x20: {  	s21 =	simm.s32 @!p0 $0x18630;
	(pc) =	sbr.rel @p1 .LBB2_2-.Ltmp3, $4  }
0x21: {  	s21 =	sshrl.u32 s21, $0x3  }
0x22: {  	s18 =	sadd.s32 $0x70, s18;
	s21 =	sadd.s32 s1, s21  }
0x23: {  	[tilespmem:s18], [sflag:$0x3] =	stream.linear.gather [hbm4b:s21+s4], $0x70, $0x38;
	[tilespmem:$0x1CD00] =	vst v63  }
0x24: {  	s20 =	sadd.s32 $0xE00, s20  }
.LBB2_3:
0x25: {  	[tilespmem:s12], [sflag:$0x4] =	stream.linear.gather [hbm4b:s5+s4], $0x80, $0x38;
	[tilespmem:$0x1CD00] =	vst v63  }
0x26: {  	_ =	swait.ge [sflag:s13], $0x80  }
0x27: {  	[sflag:s13] =	ssyncset.done $0x0  }
0x28: {  	[sflag:s13] =	ssyncadd.s32 $0xFFFFFF80  }
0x29: {  	s18 =	smov.u32 s7;
	v3 =	vld [tilespmem:$0x1CC80]  }
.LBB2_4:
0x2a: {  	p0 =	sne.s32 s18, $0x1  }
.Ltmp4:
0x2b: {  	_ = 	snop;
	(pc) =	sbr.rel @p0 .LBB2_4-.Ltmp4, $4  }
0x2c: {  	_ = 	snop  }
0x2d: {  	_ =	swait.ge [sflag:s14], $0x70  }
0x2e: {  	[sflag:s14] =	ssyncset.done $0x0  }
0x2f: {  	s18 =	sadd.s32 $0xFFFFFFFF, s18;
	[sflag:s14] =	ssyncadd.s32 $0xFFFFFF90  }
.Ltmp5:
0x30: {  	(pc) =	sbr.rel .LBB2_6-.Ltmp5, $3  }
0x31: {  	_ =	sdelay $0x1  }
0x32: {  	s18 =	simm.s32 $0x0  }
0x33: {  	s19 =	simm.s32 $0x1BF20;
	s20 =	simm.s32 $0x1BF90;
	s21 =	simm.s32 $0x1C070  }
.LBB2_22:
0x34: {  	s18 =	sadd.s32 $0x1, s18  }
0x35: {  	p0 =	sne.s32 s18, $0xE  }
.Ltmp6:
0x36: {  	_ = 	snop;
	(pc) =	sbr.rel @!p0 .LBB2_23-.Ltmp6, $2  }
0x37: {  	_ =	sdelay $0x2  }
0x38: {  	s19 =	sadd.s32 $0xE0, s19;
	s20 =	sadd.s32 $0xE0, s20;
	s21 =	sadd.s32 $0xE0, s21  }
.LBB2_6:
0x39: {  	s22 =	sshll.u32 s18, $0x1  }
0x3a: {  	p1 =	sge.u32 s22, s7  }
.Ltmp7:
0x3b: {  	_ = 	snop;
	(pc) =	sbr.rel @p1 .LBB2_14-.Ltmp7, $2  }
0x3c: {  	_ =	sdelay $0x2  }
0x3d: {  	p0 =	seq.s32 s18, $0x0  }
.Ltmp8:
0x3e: {  	(pc) =	sbr.rel @p0 .LBB2_11-.Ltmp8, $4  }
0x3f: {  	_ = 	snop  }
0x40: {  	_ =	swait.ge [sflag:s15], $0xE000  }
0x41: {  	[sflag:s15] =	ssyncset.done $0x0  }
0x42: {  	s23 =	simm.s32 $0x0;
	s24 =	simm.s32 $0x0;
	[sflag:s15] =	ssyncadd.s32 $0xFFFF2000  }
0x43: {  	s24 =	smul.u32 $0x380, s18  }
0x44: {  	s25 =	simm.s32 $0x0;
	v4 =	vld [tilespmem:s19+$0x0];
	s26 =	simm.s32 $0x10;
	s28 =	smov.u32 s19  }
.LBB2_9:
0x45: {  	p1 =	sne.s32 s26, $0x60;
	_ =	sdelay $0x1  }
0x46: {  	v5 =	vmov s25;
	s25 =	smov.u32 s26  }
0x47: {  	v5 =	vshll.u32 v5, $0x9  }
0x48: {  	v5 =	vor.u32 v0, v5;
	v6 =	vshll.u32 v4, $0x3  }
0x49: {  	v5 =	vand.u32 $0xF000, v5;
	v6 =	vand.u32 $0xFFFFFC00, v6  }
0x4a: {  	v4 =	vand.u32 $0x7F, v4;
	v5 =	vadd.s32 v5, v6  }
0x4b: {  	v4 =	vor.u32 v4, v5  }
0x4c: {  	v4 =	vor.u32 v1, v4;
	_ =	sdelay $0x1  }
.Ltmp9:
0x4d: {  	(pc) =	sbr.rel @p1 .LBB2_9-.Ltmp9, $3  }
0x4e: {  	_ =	sdelay $0x1  }
0x4f: {  	s28 =	sadd.s32 $0x10, s28;
	[tilespmem:v4+s4+$0x0] =	vst.idx.msk $0xffff, v2  }
0x50: {  	s26 =	sadd.s32 $0x10, s26;
	v4 =	vld [tilespmem:s28+$0x0]  }
0x51: {  	_ =	sdelay $0x1  }
0x52: {  	v5 =	vmov s25  }
0x53: {  	v5 =	vshll.u32 v5, $0x9  }
0x54: {  	v5 =	vor.u32 v0, v5;
	v6 =	vshll.u32 v4, $0x3  }
0x55: {  	v5 =	vand.u32 $0xF000, v5;
	v6 =	vand.u32 $0xFFFFFC00, v6  }
0x56: {  	v4 =	vand.u32 $0x7F, v4;
	v5 =	vadd.s32 v5, v6  }
0x57: {  	v4 =	vor.u32 v4, v5  }
0x58: {  	v4 =	vor.u32 v1, v4;
	_ =	sdelay $0x4  }
0x59: {  	[tilespmem:v4+s4+$0x0] =	vst.idx.msk $0xffff, v2  }
.LBB2_11:
0x5a: {  	s24 =	sshra.s32 s24, $0x2  }
0x5b: {  	s26 =	sshll.u32 s18, $0x6;
	s25 =	sadd.s32 $0x1C000, s24  }
0x5c: {  	s24 =	sor.u32 s6, s26;
	s26 =	simm.s32 $0x10;
	v4 =	vld [tilespmem:s25+$0x0]  }
.LBB2_12:
0x5d: {  	p1 =	sne.s32 s26, $0x60;
	_ =	sdelay $0x1  }
0x5e: {  	v5 =	vmov s23;
	s23 =	smov.u32 s26  }
0x5f: {  	v5 =	vshll.u32 v5, $0x9  }
0x60: {  	v5 =	vor.u32 v0, v5;
	v6 =	vshll.u32 v4, $0x3  }
0x61: {  	v5 =	vand.u32 $0xF000, v5;
	v6 =	vand.u32 $0xFFFFFC00, v6  }
0x62: {  	v4 =	vand.u32 $0x7F, v4;
	v5 =	vadd.s32 v5, v6  }
0x63: {  	v4 =	vor.u32 v4, v5  }
0x64: {  	v4 =	vor.u32 v1, v4;
	_ =	sdelay $0x1  }
.Ltmp10:
0x65: {  	(pc) =	sbr.rel @p1 .LBB2_12-.Ltmp10, $3  }
0x66: {  	_ =	sdelay $0x1  }
0x67: {  	s25 =	sadd.s32 $0x10, s25;
	[tilespmem:v4+s4+$0x0] =	vst.idx.msk $0xffff, v3  }
0x68: {  	s26 =	sadd.s32 $0x10, s26;
	v4 =	vld [tilespmem:s25+$0x0]  }
0x69: {  	_ =	sdelay $0x1  }
0x6a: {  	v5 =	vmov s23  }
0x6b: {  	v5 =	vshll.u32 v5, $0x9  }
0x6c: {  	v5 =	vor.u32 v0, v5;
	v6 =	vshll.u32 v4, $0x3  }
0x6d: {  	v5 =	vand.u32 $0xF000, v5;
	v6 =	vand.u32 $0xFFFFFC00, v6  }
0x6e: {  	v4 =	vand.u32 $0x7F, v4;
	v5 =	vadd.s32 v5, v6  }
0x6f: {  	v4 =	vor.u32 v4, v5  }
0x70: {  	v4 =	vor.u32 v1, v4;
	_ =	sdelay $0x2  }
0x71: {  	s31 =	smul.u32 $0x1C00, s24;
	_ =	sdelay $0x1  }
0x72: {  	s23 =	sadd.s32 s2, s31;
	[tilespmem:v4+s4+$0x0] =	vst.idx.msk $0xffff, v3  }
0x73: {  	[hbm4b:s23+s4] =	stream.linear.scatter [tilespmem:s4], [sflag:$0x1], $0xE000, $0x38;
	[tilespmem:$0x1CD00] =	vst v63  }
.LBB2_14:
0x74: {  	s23 =	sor.u32 $0x1, s22  }
0x75: {  	p1 =	sge.u32 s23, s7  }
.Ltmp11:
0x76: {  	_ = 	snop;
	(pc) =	sbr.rel @p1 .LBB2_22-.Ltmp11, $1  }
0x77: {  	_ =	sdelay $0x3  }
.Ltmp12:
0x78: {  	(pc) =	sbr.rel @p0 .LBB2_19-.Ltmp12, $4  }
0x79: {  	_ = 	snop  }
0x7a: {  	_ =	swait.ge [sflag:s16], $0xE000  }
0x7b: {  	[sflag:s16] =	ssyncset.done $0x0  }
0x7c: {  	s22 =	simm.s32 $0x0;
	[sflag:s16] =	ssyncadd.s32 $0xFFFF2000  }
0x7d: {  	v4 =	vld [tilespmem:s20+$0x0];
	s24 =	simm.s32 $0x10;
	s25 =	simm.s32 $0x0;
	s26 =	smov.u32 s20  }
.LBB2_17:
0x7e: {  	p0 =	sne.s32 s24, $0x60;
	_ =	sdelay $0x1  }
0x7f: {  	v5 =	vmov s25;
	s25 =	smov.u32 s24  }
0x80: {  	v5 =	vshll.u32 v5, $0x9  }
0x81: {  	v5 =	vor.u32 v0, v5;
	v6 =	vshll.u32 v4, $0x3  }
0x82: {  	v5 =	vand.u32 $0xF000, v5;
	v6 =	vand.u32 $0xFFFFFC00, v6  }
0x83: {  	v4 =	vand.u32 $0x7F, v4;
	v5 =	vadd.s32 v5, v6  }
0x84: {  	v4 =	vor.u32 v4, v5  }
0x85: {  	v4 =	vor.u32 v1, v4;
	_ =	sdelay $0x1  }
.Ltmp13:
0x86: {  	(pc) =	sbr.rel @p0 .LBB2_17-.Ltmp13, $3  }
0x87: {  	_ =	sdelay $0x1  }
0x88: {  	s26 =	sadd.s32 $0x10, s26;
	[tilespmem:v4+s11+$0x0] =	vst.idx.msk $0xffff, v2  }
0x89: {  	s24 =	sadd.s32 $0x10, s24;
	v4 =	vld [tilespmem:s26+$0x0]  }
0x8a: {  	_ =	sdelay $0x1  }
0x8b: {  	v5 =	vmov s25  }
0x8c: {  	v5 =	vshll.u32 v5, $0x9  }
0x8d: {  	v5 =	vor.u32 v0, v5;
	v6 =	vshll.u32 v4, $0x3  }
0x8e: {  	v5 =	vand.u32 $0xF000, v5;
	v6 =	vand.u32 $0xFFFFFC00, v6  }
0x8f: {  	v4 =	vand.u32 $0x7F, v4;
	v5 =	vadd.s32 v5, v6  }
0x90: {  	v4 =	vor.u32 v4, v5  }
0x91: {  	v4 =	vor.u32 v1, v4;
	_ =	sdelay $0x4  }
0x92: {  	[tilespmem:v4+s11+$0x0] =	vst.idx.msk $0xffff, v2  }
.LBB2_19:
0x93: {  	s23 =	sshll.u32 s23, $0x5  }
0x94: {  	s23 =	sor.u32 s6, s23  }
0x95: {  	s23 =	smul.u32 $0x70, s23;
	_ =	sdelay $0x1  }
0x96: {  	v4 =	vld [tilespmem:s21+$0x0];
	s24 =	simm.s32 $0x10;
	s25 =	smov.u32 s21;
	s23 =	smin.u32 s23, $0x18630  }
.LBB2_20:
0x97: {  	p0 =	sne.s32 s24, $0x60;
	_ =	sdelay $0x1  }
0x98: {  	v5 =	vmov s22;
	s22 =	smov.u32 s24  }
0x99: {  	v5 =	vshll.u32 v5, $0x9  }
0x9a: {  	v5 =	vor.u32 v0, v5;
	v6 =	vshll.u32 v4, $0x3  }
0x9b: {  	v5 =	vand.u32 $0xF000, v5;
	v6 =	vand.u32 $0xFFFFFC00, v6  }
0x9c: {  	v4 =	vand.u32 $0x7F, v4;
	v5 =	vadd.s32 v5, v6  }
0x9d: {  	v4 =	vor.u32 v4, v5  }
0x9e: {  	v4 =	vor.u32 v1, v4;
	_ =	sdelay $0x1  }
.Ltmp14:
0x9f: {  	(pc) =	sbr.rel @p0 .LBB2_20-.Ltmp14, $3  }
0xa0: {  	_ =	sdelay $0x1  }
0xa1: {  	s25 =	sadd.s32 $0x10, s25;
	[tilespmem:v4+s11+$0x0] =	vst.idx.msk $0xffff, v3  }
0xa2: {  	s24 =	sadd.s32 $0x10, s24;
	v4 =	vld [tilespmem:s25+$0x0]  }
0xa3: {  	_ =	sdelay $0x1  }
0xa4: {  	v5 =	vmov s22  }
0xa5: {  	v5 =	vshll.u32 v5, $0x9  }
0xa6: {  	v5 =	vor.u32 v0, v5;
	v6 =	vshll.u32 v4, $0x3  }
0xa7: {  	v5 =	vand.u32 $0xF000, v5;
	v6 =	vand.u32 $0xFFFFFC00, v6  }
0xa8: {  	v4 =	vand.u32 $0x7F, v4;
	v5 =	vadd.s32 v5, v6  }
0xa9: {  	v4 =	vor.u32 v4, v5  }
0xaa: {  	v4 =	vor.u32 v1, v4;
	_ =	sdelay $0x1  }
.Ltmp15:
0xab: {  	_ = 	snop;
	(pc) =	sbr.rel .LBB2_22-.Ltmp15, $4  }
0xac: {  	_ = 	snop  }
0xad: {  	s31 =	sshll.u32 s23, $0x6  }
0xae: {  	s22 =	sadd.s32 s2, s31;
	[tilespmem:v4+s11+$0x0] =	vst.idx.msk $0xffff, v3  }
0xaf: {  	[hbm4b:s22+s4] =	stream.linear.scatter [tilespmem:s11], [sflag:$0x2], $0xE000, $0x38;
	[tilespmem:$0x1CD00] =	vst v63  }
.LBB2_24:
0xb0: {  	_ =	sfence.sel $0x180000  }
0xb1: {  	[bflag:$0x0] =	sbarrier.arrive $0xFFFF  }
0xb2: {  	p0 =	sne.s32 s3, $0x0;
	_ =	strace $0x90000047  }
0xb3: {  	s0 =	sadd.s32 @!p0 $0x100000, s0;
	[bflag:$0x2] =	sbarrier.arrive $0xFFFF  }
0xb4: {  	[sflag:s0] =	ssyncadd.tile.s32 @!p0 $0x1;
	_ =	shalt  }
.Lfunc_end2:
_tile_overlayer_lowered:
.L_overlay_start_2:
0xb5: {  	(tag) =	ssettag $0x2  }
0xb6: {  	s0 =	rddreg [dreg:$0x0];
	s2 =	stileid.u32  }
0xb7: {  	s1 =	rddreg [dreg:$0x1];
	p0 =	sne.s32 s2, $0x0  }
0xb8: {  	s3 =	rddreg [dreg:$0x2];
	[bflag:$0x3] =	sbarrier.arrive $0xFFFF;
	s2 =	simm.s32 @!p0 $0x1C04  }
0xb9: {  	[timem:s3], [sflag:s2] =	dma.local @!p0 [hbm:s0], s1  }
0xba: {  	s0 =	simm.s32 @!p0 $0x4  }
0xbb: {  	_ =	swait.ge @!p0 [sflag:s0], s1  }
0xbc: {  	s1 =	ssub.s32 @!p0 $0x0, s1;
	[sflag:s0] =	ssyncset.done @!p0 $0x0  }
0xbd: {  	[sflag:s0] =	ssyncadd.s32 @!p0 s1  }
0xbe: {  	[bflag:$0x3] =	sbarrier.arrive $0xFFFF  }
0xbf: {  	_ =	shalt  }

</sc_bundles>
